<compile_context>
chip_gen: v7x
topology: tpu7x:2x2x1
jax: 0.10.2.dev20260603
libtpu: 0.0.44.dev20260713+nightly
codegen_flags: <defaults>
</compile_context>

<pallas_src>
import functools

import jax
import jax.numpy as jnp
from jax import lax
from jax.experimental import pallas as pl
from jax.experimental.pallas import tpu as pltpu
from jax.experimental.pallas import tpu_sc as plsc

_NUM = 8192
_DIM = 128
_N = 8192
_BZ = 512
_CK = 1024
_NCHUNK = _NUM // _CK

_NC = 2
_NS = 16
_NW = _NC * _NS
_BPW = _N // _NW
_IDXC = 128


def _argmin_body(z_ref, zn_ref, w_ref, wn_ref, ind_ref):
    zb = z_ref[...]
    zn = zn_ref[...]

    def chunk(c, carry):
        bval, bidx = carry
        wblk = w_ref[pl.ds(c * _CK, _CK), :]
        wn = wn_ref[0, pl.ds(c * _CK, _CK)]
        mm = lax.dot_general(zb, wblk, (((1,), (1,)), ((), ())),
                             preferred_element_type=jnp.float32)
        dis = (zn + wn[None, :]) - 2.0 * mm
        lmin = jnp.min(dis, axis=1)
        lidx = jnp.argmin(dis, axis=1).astype(jnp.int32) + c * _CK
        take = lmin < bval
        return (jnp.where(take, lmin, bval), jnp.where(take, lidx, bidx))

    carry = (jnp.full((_BZ,), jnp.inf, jnp.float32),
             jnp.zeros((_BZ,), jnp.int32))
    for c in range(_NCHUNK):
        carry = chunk(c, carry)
    ind_ref[0, 0, :] = carry[1]


def _argmin_call(z_flat, znorm, w, wnorm2d):
    return pl.pallas_call(
        _argmin_body,
        grid=(_N // _BZ,),
        in_specs=[
            pl.BlockSpec((_BZ, _DIM), lambda i: (i, 0)),
            pl.BlockSpec((_BZ, 1), lambda i: (i, 0)),
            pl.BlockSpec((_NUM, _DIM), lambda i: (0, 0)),
            pl.BlockSpec((1, _NUM), lambda i: (0, 0)),
        ],
        out_specs=pl.BlockSpec((1, 1, _BZ), lambda i: (i, 0, 0)),
        out_shape=jax.ShapeDtypeStruct((_N // _BZ, 1, _BZ), jnp.int32),
    )(z_flat, znorm, w, wnorm2d)


_SC_MESH = plsc.VectorSubcoreMesh(core_axis_name="c", subcore_axis_name="s")


@functools.partial(
    pl.kernel,
    mesh=_SC_MESH,
    out_type=(
        jax.ShapeDtypeStruct((_N, _DIM), jnp.float32),
        jax.ShapeDtypeStruct((_NW, 16), jnp.float32),
    ),
    scratch_types=[
        pltpu.VMEM((_BPW // _IDXC, _IDXC), jnp.int32),
        pltpu.VMEM((_BPW, _DIM), jnp.float32),
        pltpu.VMEM((_BPW, _DIM), jnp.float32),
        pltpu.VMEM((16,), jnp.float32),
        pltpu.SemaphoreType.DMA,
    ],
)
def _gather_loss(w_hbm, ind_hbm, z_hbm, zq_hbm, part_hbm,
                 idx_v, rows_v, z_v, acc_v, sem):
    wid = lax.axis_index("s") * _NC + lax.axis_index("c")
    nidx = _BPW // _IDXC
    base = wid * _BPW
    pltpu.sync_copy(ind_hbm.at[pl.ds(wid * nidx, nidx), :], idx_v)
    cps = []
    for j in range(nidx):
        cps.append(pltpu.async_copy(
            w_hbm.at[idx_v.at[j]],
            rows_v.at[pl.ds(j * _IDXC, _IDXC), :], sem))
    pltpu.sync_copy(z_hbm.at[pl.ds(base, _BPW), :], z_v)
    for cp in cps:
        cp.wait()

    def rbody(r, acc):
        def cbody(c, acc2):
            d = rows_v[r, pl.ds(c * 16, 16)] - z_v[r, pl.ds(c * 16, 16)]
            return acc2 + d * d
        return lax.fori_loop(0, _DIM // 16, cbody, acc)

    acc = lax.fori_loop(0, _BPW, rbody, jnp.zeros((16,), jnp.float32))
    acc_v[...] = acc
    pltpu.sync_copy(rows_v, zq_hbm.at[pl.ds(base, _BPW), :])
    pltpu.sync_copy(acc_v, part_hbm.at[wid])


def kernel(batch, vq_weight):
    b, c, h, w = batch.shape
    z = batch
    z_flat = jnp.transpose(z, (0, 2, 3, 1)).reshape(-1, _DIM)
    znorm = jnp.sum(z_flat ** 2, axis=1, keepdims=True)
    wnorm = jnp.sum(vq_weight ** 2, axis=1)

    ind3 = _argmin_call(z_flat, znorm, vq_weight, wnorm.reshape(1, _NUM))
    ind64 = ind3.reshape(_N // _IDXC, _IDXC)

    zq_flat, partials = _gather_loss(vq_weight, ind64, z_flat)

    z_q = jnp.transpose(zq_flat.reshape(b, h, w, c), (0, 3, 1, 2))
    out = z + lax.stop_gradient(z_q - z)
    loss = 52.0 * (jnp.sum(partials) / (b * c * h * w))
    return (out, loss)

# --- scband reference (transcript-rebuilt; emitter-appended) ---
"""Pipeline reference for scband-dis-vq-42949673535 (READ-ONLY COPY).

The authoritative reference and input builder live on the scoring server;
editing this copy changes nothing except your own understanding.
"""

import jax, jax.numpy as jnp
import numpy as np

NUM = 8192
DIM = 128

def setup_inputs(seed: int = 0) -> dict:
    key = jax.random.key(seed)
    k1, k2 = jax.random.split(key)
    batch = jax.random.normal(k1, (8, DIM, 32, 32), dtype=jnp.float32)
    # vq.weight.data.uniform_(-1/num, 1/num)
    vq_weight = (jax.random.uniform(k2, (NUM, DIM), dtype=jnp.float32) * 2.0 - 1.0) / NUM
    return {"batch": batch, "vq_weight": vq_weight}

def reference(batch, vq_weight):
    num, dim = vq_weight.shape
    # encoder is identity
    z = batch
    b, c, h, w = z.shape
    z_flatten = jnp.transpose(z, (0, 2, 3, 1)).reshape(-1, dim)
    dis = (jnp.sum(z_flatten ** 2, axis=1, keepdims=True)
           + jnp.sum(vq_weight ** 2, axis=1)
           - 2.0 * z_flatten @ vq_weight.T)
    ind = jnp.argmin(dis, axis=1)
    one_hot = jax.nn.one_hot(ind, num, dtype=jnp.float32)
    z_q = one_hot @ vq_weight
    z_q = z_q.reshape(b, h, w, c)
    z_q = jnp.transpose(z_q, (0, 3, 1, 2))
    vq_out = z + jax.lax.stop_gradient(z_q - z)
    # decoder is identity
    out = vq_out
    # training-mode loss (deterministic path)
    loss = 0.0
    loss = loss + jnp.mean((z_q - jax.lax.stop_gradient(z)) ** 2)
    loss = loss + jnp.mean((jax.lax.stop_gradient(z_q) - z) ** 2)
    loss = loss + jnp.mean((batch - out) ** 2) * 50.0
    return (out, loss)

if __name__ == "__main__":
    import jax
    _d = setup_inputs()
    print(jax.jit(kernel)(*tuple(_d.values())))

</pallas_src>

<mosaic_0001>
#map = affine_map<(d0, d1) -> (0, 0)>
module attributes {stable_mosaic.version = 14 : i64} {
  func.func @_gather_loss(%arg0: i32, %arg1: i32, %arg2: memref<8192x128xf32, #tpu.memory_space<hbm>>, %arg3: memref<64x128xi32, #tpu.memory_space<hbm>>, %arg4: memref<8192x128xf32, #tpu.memory_space<hbm>>, %arg5: memref<8192x128xf32, #tpu.memory_space<hbm>>, %arg6: memref<32x16xf32, #tpu.memory_space<hbm>>, %arg7: memref<2x128xi32, #tpu.memory_space<vmem>>, %arg8: memref<256x128xf32, #tpu.memory_space<vmem>>, %arg9: memref<256x128xf32, #tpu.memory_space<vmem>>, %arg10: memref<16xf32, #tpu.memory_space<vmem>>, %arg11: memref<!tpu.dma_semaphore, #tpu.memory_space<semaphore_mem>>) attributes {dimension_semantics = [#tpu.dimension_semantics<core_parallel>, #tpu.dimension_semantics<subcore_parallel>], iteration_bounds = array<i64: 2, 16>, scalar_prefetch = 0 : i64, scratch_operands = 5 : i64, tpu.core_type = #tpu.core_type<sc_vector_subcore>, window_params = [{transform_indices = #map}, {transform_indices = #map}, {transform_indices = #map}, {transform_indices = #map}, {transform_indices = #map}]} {
    %mul3A = arith.constant 2 : i32
    %mul3A_0 = arith.muli %arg1, %mul3A : i32
    %add3A = arith.addi %mul3A_0, %arg0 : i32
    %mul3A_1 = arith.constant 256 : i32
    %mul3A_2 = arith.muli %add3A, %mul3A_1 : i32
    %mul3A_3 = arith.constant 2 : i32
    %mul3A_4 = arith.muli %add3A, %mul3A_3 : i32
    "tpu.region"() ({
      %run_scoped3A = tpu.sem_alloc : memref<!tpu.dma_semaphore, #tpu.memory_space<semaphore_mem>>
      %dma_start3A_52 = arith.constant 0 : i32
      %dma_start3A_53 = tpu.memref_slice %arg3[%mul3A_4, %dma_start3A_52] : memref<64x128xi32, #tpu.memory_space<hbm>> -> memref<2x128xi32, #tpu.memory_space<hbm>>
      %dma_start3A_54 = arith.constant 0 : i32
      %dma_start3A_55 = tpu.memref_slice %arg3[%mul3A_4, %dma_start3A_54] : memref<64x128xi32, #tpu.memory_space<hbm>> -> memref<2x128xi32, #tpu.memory_space<hbm>>
      tpu.enqueue_dma source(%dma_start3A_55 : memref<2x128xi32, #tpu.memory_space<hbm>>) target(%arg7 : memref<2x128xi32, #tpu.memory_space<vmem>>) target_semaphore(%run_scoped3A : memref<!tpu.dma_semaphore, #tpu.memory_space<semaphore_mem>>)
      %dma_wait3A_56 = arith.constant 0 : i32
      %dma_wait3A_57 = tpu.memref_slice %arg3[%mul3A_4, %dma_wait3A_56] : memref<64x128xi32, #tpu.memory_space<hbm>> -> memref<2x128xi32, #tpu.memory_space<hbm>>
      %dma_wait3A_58 = arith.constant 0 : i32
      %dma_wait3A_59 = tpu.memref_slice %arg3[%mul3A_4, %dma_wait3A_58] : memref<64x128xi32, #tpu.memory_space<hbm>> -> memref<2x128xi32, #tpu.memory_space<hbm>>
      tpu.wait_dma2 semaphore(%run_scoped3A : memref<!tpu.dma_semaphore, #tpu.memory_space<semaphore_mem>>) src(%dma_wait3A_59 : memref<2x128xi32, #tpu.memory_space<hbm>>) dst(%arg7 : memref<2x128xi32, #tpu.memory_space<vmem>>)
      tpu.yield
    }) : () -> ()
    %dma_start3A = arith.constant 0 : i32
    %dma_start3A_5 = arith.constant 0 : i32
    %dma_start3A_6 = arith.constant 0 : i32
    %dma_start3A_7 = tpu.memref_slice %arg8[%dma_start3A_5, %dma_start3A_6] : memref<256x128xf32, #tpu.memory_space<vmem>> -> memref<128x128xf32, #tpu.memory_space<vmem>>
    %dma_start3A_8 = arith.constant 0 : i32
    %dma_start3A_9 = tpu.memref_slice %arg7[%dma_start3A, %dma_start3A_8] : memref<2x128xi32, #tpu.memory_space<vmem>> -> memref<1x128xi32, #tpu.memory_space<vmem>>
    %dma_start3A_10 = tpu.memref_squeeze %dma_start3A_9 : memref<1x128xi32, #tpu.memory_space<vmem>> -> memref<128xi32, #tpu.memory_space<vmem>>
    %dma_start3A_11 = arith.constant 0 : i32
    %dma_start3A_12 = arith.constant 0 : i32
    %dma_start3A_13 = tpu.memref_slice %arg2[%dma_start3A_11, %dma_start3A_12] : memref<8192x128xf32, #tpu.memory_space<hbm>> -> memref<8192x128xf32, #tpu.memory_space<hbm>>
    tpu.enqueue_indirect_dma source(%dma_start3A_13 : memref<8192x128xf32, #tpu.memory_space<hbm>>) target(%dma_start3A_7 : memref<128x128xf32, #tpu.memory_space<vmem>>) offsets(%dma_start3A_10 : memref<128xi32, #tpu.memory_space<vmem>>) semaphore(%arg11 : memref<!tpu.dma_semaphore, #tpu.memory_space<semaphore_mem>>)
    %dma_start3A_14 = arith.constant 1 : i32
    %dma_start3A_15 = arith.constant 128 : i32
    %dma_start3A_16 = arith.constant 0 : i32
    %dma_start3A_17 = tpu.memref_slice %arg8[%dma_start3A_15, %dma_start3A_16] : memref<256x128xf32, #tpu.memory_space<vmem>> -> memref<128x128xf32, #tpu.memory_space<vmem>>
    %dma_start3A_18 = arith.constant 0 : i32
    %dma_start3A_19 = tpu.memref_slice %arg7[%dma_start3A_14, %dma_start3A_18] : memref<2x128xi32, #tpu.memory_space<vmem>> -> memref<1x128xi32, #tpu.memory_space<vmem>>
    %dma_start3A_20 = tpu.memref_squeeze %dma_start3A_19 : memref<1x128xi32, #tpu.memory_space<vmem>> -> memref<128xi32, #tpu.memory_space<vmem>>
    %dma_start3A_21 = arith.constant 0 : i32
    %dma_start3A_22 = arith.constant 0 : i32
    %dma_start3A_23 = tpu.memref_slice %arg2[%dma_start3A_21, %dma_start3A_22] : memref<8192x128xf32, #tpu.memory_space<hbm>> -> memref<8192x128xf32, #tpu.memory_space<hbm>>
    tpu.enqueue_indirect_dma source(%dma_start3A_23 : memref<8192x128xf32, #tpu.memory_space<hbm>>) target(%dma_start3A_17 : memref<128x128xf32, #tpu.memory_space<vmem>>) offsets(%dma_start3A_20 : memref<128xi32, #tpu.memory_space<vmem>>) semaphore(%arg11 : memref<!tpu.dma_semaphore, #tpu.memory_space<semaphore_mem>>)
    "tpu.region"() ({
      %run_scoped3A = tpu.sem_alloc : memref<!tpu.dma_semaphore, #tpu.memory_space<semaphore_mem>>
      %dma_start3A_52 = arith.constant 0 : i32
      %dma_start3A_53 = tpu.memref_slice %arg4[%mul3A_2, %dma_start3A_52] : memref<8192x128xf32, #tpu.memory_space<hbm>> -> memref<256x128xf32, #tpu.memory_space<hbm>>
      %dma_start3A_54 = arith.constant 0 : i32
      %dma_start3A_55 = tpu.memref_slice %arg4[%mul3A_2, %dma_start3A_54] : memref<8192x128xf32, #tpu.memory_space<hbm>> -> memref<256x128xf32, #tpu.memory_space<hbm>>
      tpu.enqueue_dma source(%dma_start3A_55 : memref<256x128xf32, #tpu.memory_space<hbm>>) target(%arg9 : memref<256x128xf32, #tpu.memory_space<vmem>>) target_semaphore(%run_scoped3A : memref<!tpu.dma_semaphore, #tpu.memory_space<semaphore_mem>>)
      %dma_wait3A_56 = arith.constant 0 : i32
      %dma_wait3A_57 = tpu.memref_slice %arg4[%mul3A_2, %dma_wait3A_56] : memref<8192x128xf32, #tpu.memory_space<hbm>> -> memref<256x128xf32, #tpu.memory_space<hbm>>
      %dma_wait3A_58 = arith.constant 0 : i32
      %dma_wait3A_59 = tpu.memref_slice %arg4[%mul3A_2, %dma_wait3A_58] : memref<8192x128xf32, #tpu.memory_space<hbm>> -> memref<256x128xf32, #tpu.memory_space<hbm>>
      tpu.wait_dma2 semaphore(%run_scoped3A : memref<!tpu.dma_semaphore, #tpu.memory_space<semaphore_mem>>) src(%dma_wait3A_59 : memref<256x128xf32, #tpu.memory_space<hbm>>) dst(%arg9 : memref<256x128xf32, #tpu.memory_space<vmem>>)
      tpu.yield
    }) : () -> ()
    %dma_wait3A = arith.constant 0 : i32
    %dma_wait3A_24 = arith.constant 0 : i32
    %dma_wait3A_25 = arith.constant 0 : i32
    %dma_wait3A_26 = tpu.memref_slice %arg8[%dma_wait3A_24, %dma_wait3A_25] : memref<256x128xf32, #tpu.memory_space<vmem>> -> memref<128x128xf32, #tpu.memory_space<vmem>>
    %dma_wait3A_27 = arith.constant 0 : i32
    %dma_wait3A_28 = tpu.memref_slice %arg7[%dma_wait3A, %dma_wait3A_27] : memref<2x128xi32, #tpu.memory_space<vmem>> -> memref<1x128xi32, #tpu.memory_space<vmem>>
    %dma_wait3A_29 = tpu.memref_squeeze %dma_wait3A_28 : memref<1x128xi32, #tpu.memory_space<vmem>> -> memref<128xi32, #tpu.memory_space<vmem>>
    %dma_wait3A_30 = arith.constant 0 : i32
    %dma_wait3A_31 = arith.constant 0 : i32
    %dma_wait3A_32 = tpu.memref_slice %arg2[%dma_wait3A_30, %dma_wait3A_31] : memref<8192x128xf32, #tpu.memory_space<hbm>> -> memref<8192x128xf32, #tpu.memory_space<hbm>>
    tpu.wait_indirect_dma semaphore(%arg11 : memref<!tpu.dma_semaphore, #tpu.memory_space<semaphore_mem>>) src(%dma_wait3A_32 : memref<8192x128xf32, #tpu.memory_space<hbm>>) dst(%dma_wait3A_26 : memref<128x128xf32, #tpu.memory_space<vmem>>)
    %dma_wait3A_33 = arith.constant 1 : i32
    %dma_wait3A_34 = arith.constant 128 : i32
    %dma_wait3A_35 = arith.constant 0 : i32
    %dma_wait3A_36 = tpu.memref_slice %arg8[%dma_wait3A_34, %dma_wait3A_35] : memref<256x128xf32, #tpu.memory_space<vmem>> -> memref<128x128xf32, #tpu.memory_space<vmem>>
    %dma_wait3A_37 = arith.constant 0 : i32
    %dma_wait3A_38 = tpu.memref_slice %arg7[%dma_wait3A_33, %dma_wait3A_37] : memref<2x128xi32, #tpu.memory_space<vmem>> -> memref<1x128xi32, #tpu.memory_space<vmem>>
    %dma_wait3A_39 = tpu.memref_squeeze %dma_wait3A_38 : memref<1x128xi32, #tpu.memory_space<vmem>> -> memref<128xi32, #tpu.memory_space<vmem>>
    %dma_wait3A_40 = arith.constant 0 : i32
    %dma_wait3A_41 = arith.constant 0 : i32
    %dma_wait3A_42 = tpu.memref_slice %arg2[%dma_wait3A_40, %dma_wait3A_41] : memref<8192x128xf32, #tpu.memory_space<hbm>> -> memref<8192x128xf32, #tpu.memory_space<hbm>>
    tpu.wait_indirect_dma semaphore(%arg11 : memref<!tpu.dma_semaphore, #tpu.memory_space<semaphore_mem>>) src(%dma_wait3A_42 : memref<8192x128xf32, #tpu.memory_space<hbm>>) dst(%dma_wait3A_36 : memref<128x128xf32, #tpu.memory_space<vmem>>)
    %broadcast_in_dim3A = arith.constant 0.000000e+00 : f32
    %broadcast_in_dim3A_43 = vector.broadcast %broadcast_in_dim3A : f32 to vector<16xf32>
    %scan3A = arith.constant 0 : i32
    %scan3A_44 = arith.constant 256 : i32
    %scan3A_45 = arith.addi %scan3A, %scan3A_44 : i32
    %scan3A_46 = arith.constant 1 : i32
    %scan3A_47 = scf.for %scan3A_52 = %scan3A to %scan3A_45 step %scan3A_46 iter_args(%scan3A_53 = %broadcast_in_dim3A_43) -> (vector<16xf32>)  : i32 {
      %scan3A_54 = arith.constant 0 : i32
      %scan3A_55 = arith.constant 8 : i32
      %scan3A_56 = arith.addi %scan3A_54, %scan3A_55 : i32
      %scan3A_57 = arith.constant 1 : i32
      %scan3A_58 = scf.for %scan3A_60 = %scan3A_54 to %scan3A_56 step %scan3A_57 iter_args(%scan3A_61 = %scan3A_53) -> (vector<16xf32>)  : i32 {
        %mul3A_62 = arith.constant 16 : i32
        %mul3A_63 = arith.muli %scan3A_60, %mul3A_62 : i32
        %get3A = arith.index_cast %scan3A_52 : i32 to index
        %get3A_64 = arith.index_cast %mul3A_63 : i32 to index
        %get3A_65 = tpu.vector_load %arg8[%get3A, %get3A_64] {strides = array<i32>} : memref<256x128xf32, #tpu.memory_space<vmem>>, vector<1x16xf32>,
        %get3A_66 = vector.shape_cast %get3A_65 : vector<1x16xf32> to vector<16xf32>
        %mul3A_67 = arith.constant 16 : i32
        %mul3A_68 = arith.muli %scan3A_60, %mul3A_67 : i32
        %get3A_69 = arith.index_cast %scan3A_52 : i32 to index
        %get3A_70 = arith.index_cast %mul3A_68 : i32 to index
        %get3A_71 = tpu.vector_load %arg9[%get3A_69, %get3A_70] {strides = array<i32>} : memref<256x128xf32, #tpu.memory_space<vmem>>, vector<1x16xf32>,
        %get3A_72 = vector.shape_cast %get3A_71 : vector<1x16xf32> to vector<16xf32>
        %sub3A = arith.subf %get3A_66, %get3A_72 : vector<16xf32>
        %mul3A_73 = arith.mulf %sub3A, %sub3A : vector<16xf32>
        %add3A_74 = arith.addf %scan3A_61, %mul3A_73 : vector<16xf32>
        scf.yield %add3A_74 : vector<16xf32>
      }
      %scan3A_59 = arith.constant 8 : i32
      scf.yield %scan3A_58 : vector<16xf32>
    }
    %scan3A_48 = arith.constant 256 : i32
    %swap3A = arith.constant 0 : index
    %swap3A_49 = tpu.vector_load %arg10[%swap3A] {strides = array<i32>} : memref<16xf32, #tpu.memory_space<vmem>>, vector<16xf32>,
    %swap3A_50 = vector.shape_cast %swap3A_49 : vector<16xf32> to vector<16xf32>
    %swap3A_51 = vector.shape_cast %scan3A_47 : vector<16xf32> to vector<16xf32>
    tpu.vector_store %arg10[%swap3A], %swap3A_51 {strides = array<i32>} : memref<16xf32, #tpu.memory_space<vmem>>, vector<16xf32>,
    "tpu.region"() ({
      %run_scoped3A = tpu.sem_alloc : memref<!tpu.dma_semaphore, #tpu.memory_space<semaphore_mem>>
      %dma_start3A_52 = arith.constant 0 : i32
      %dma_start3A_53 = tpu.memref_slice %arg5[%mul3A_2, %dma_start3A_52] : memref<8192x128xf32, #tpu.memory_space<hbm>> -> memref<256x128xf32, #tpu.memory_space<hbm>>
      %dma_start3A_54 = arith.constant 0 : i32
      %dma_start3A_55 = tpu.memref_slice %arg5[%mul3A_2, %dma_start3A_54] : memref<8192x128xf32, #tpu.memory_space<hbm>> -> memref<256x128xf32, #tpu.memory_space<hbm>>
      tpu.enqueue_dma source(%arg8 : memref<256x128xf32, #tpu.memory_space<vmem>>) target(%dma_start3A_55 : memref<256x128xf32, #tpu.memory_space<hbm>>) target_semaphore(%run_scoped3A : memref<!tpu.dma_semaphore, #tpu.memory_space<semaphore_mem>>)
      %dma_wait3A_56 = arith.constant 0 : i32
      %dma_wait3A_57 = tpu.memref_slice %arg5[%mul3A_2, %dma_wait3A_56] : memref<8192x128xf32, #tpu.memory_space<hbm>> -> memref<256x128xf32, #tpu.memory_space<hbm>>
      %dma_wait3A_58 = arith.constant 0 : i32
      %dma_wait3A_59 = tpu.memref_slice %arg5[%mul3A_2, %dma_wait3A_58] : memref<8192x128xf32, #tpu.memory_space<hbm>> -> memref<256x128xf32, #tpu.memory_space<hbm>>
      tpu.wait_dma2 semaphore(%run_scoped3A : memref<!tpu.dma_semaphore, #tpu.memory_space<semaphore_mem>>) src(%arg8 : memref<256x128xf32, #tpu.memory_space<vmem>>) dst(%dma_wait3A_59 : memref<256x128xf32, #tpu.memory_space<hbm>>)
      tpu.yield
    }) : () -> ()
    "tpu.region"() ({
      %run_scoped3A = tpu.sem_alloc : memref<!tpu.dma_semaphore, #tpu.memory_space<semaphore_mem>>
      %dma_start3A_52 = arith.constant 0 : i32
      %dma_start3A_53 = tpu.memref_slice %arg6[%add3A, %dma_start3A_52] : memref<32x16xf32, #tpu.memory_space<hbm>> -> memref<1x16xf32, #tpu.memory_space<hbm>>
      %dma_start3A_54 = tpu.memref_squeeze %dma_start3A_53 : memref<1x16xf32, #tpu.memory_space<hbm>> -> memref<16xf32, #tpu.memory_space<hbm>>
      %dma_start3A_55 = arith.constant 0 : i32
      %dma_start3A_56 = tpu.memref_slice %arg6[%add3A, %dma_start3A_55] : memref<32x16xf32, #tpu.memory_space<hbm>> -> memref<1x16xf32, #tpu.memory_space<hbm>>
      %dma_start3A_57 = tpu.memref_squeeze %dma_start3A_56 : memref<1x16xf32, #tpu.memory_space<hbm>> -> memref<16xf32, #tpu.memory_space<hbm>>
      tpu.enqueue_dma source(%arg10 : memref<16xf32, #tpu.memory_space<vmem>>) target(%dma_start3A_57 : memref<16xf32, #tpu.memory_space<hbm>>) target_semaphore(%run_scoped3A : memref<!tpu.dma_semaphore, #tpu.memory_space<semaphore_mem>>)
      %dma_wait3A_58 = arith.constant 0 : i32
      %dma_wait3A_59 = tpu.memref_slice %arg6[%add3A, %dma_wait3A_58] : memref<32x16xf32, #tpu.memory_space<hbm>> -> memref<1x16xf32, #tpu.memory_space<hbm>>
      %dma_wait3A_60 = tpu.memref_squeeze %dma_wait3A_59 : memref<1x16xf32, #tpu.memory_space<hbm>> -> memref<16xf32, #tpu.memory_space<hbm>>
      %dma_wait3A_61 = arith.constant 0 : i32
      %dma_wait3A_62 = tpu.memref_slice %arg6[%add3A, %dma_wait3A_61] : memref<32x16xf32, #tpu.memory_space<hbm>> -> memref<1x16xf32, #tpu.memory_space<hbm>>
      %dma_wait3A_63 = tpu.memref_squeeze %dma_wait3A_62 : memref<1x16xf32, #tpu.memory_space<hbm>> -> memref<16xf32, #tpu.memory_space<hbm>>
      tpu.wait_dma2 semaphore(%run_scoped3A : memref<!tpu.dma_semaphore, #tpu.memory_space<semaphore_mem>>) src(%arg10 : memref<16xf32, #tpu.memory_space<vmem>>) dst(%dma_wait3A_63 : memref<16xf32, #tpu.memory_space<hbm>>)
      tpu.yield
    }) : () -> ()
    return
  }
}

module attributes {stable_mosaic.version = 14 : i64} {
  func.func @_argmin_body(%arg0: i32, %arg1: memref<512x128xf32, #tpu.memory_space<vmem>>, %arg2: memref<512x1xf32, #tpu.memory_space<vmem>>, %arg3: memref<8192x128xf32, #tpu.memory_space<vmem>>, %arg4: memref<1x8192xf32, #tpu.memory_space<vmem>>, %arg5: memref<1x1x512xi32, #tpu.memory_space<vmem>>) attributes {dimension_semantics = [#tpu.dimension_semantics<arbitrary>], iteration_bounds = array<i64: 16>, scalar_prefetch = 0 : i64, scratch_operands = 0 : i64, tpu.core_type = #tpu.core_type<tc>, window_params = [{transform_indices = @transform_0, window_bounds = array<i64: 512, 128>}, {transform_indices = @transform_1, window_bounds = array<i64: 512, 1>}, {pipeline_mode = #tpu.pipeline_mode<synchronous>, transform_indices = @transform_2, window_bounds = array<i64: 8192, 128>}, {pipeline_mode = #tpu.pipeline_mode<synchronous>, transform_indices = @transform_3, window_bounds = array<i64: 1, 8192>}, {transform_indices = @transform_4, window_bounds = array<i64: 1, 1, 512>}]} {
    %get3A = arith.constant 0 : index
    %get3A_0 = arith.constant 0 : index
    %get3A_1 = vector.load %arg1[%get3A, %get3A_0] : memref<512x128xf32, #tpu.memory_space<vmem>>, vector<512x128xf32>
    %get3A_2 = arith.constant 0 : index
    %get3A_3 = arith.constant 0 : index
    %get3A_4 = vector.load %arg2[%get3A_2, %get3A_3] : memref<512x1xf32, #tpu.memory_space<vmem>>, vector<512x1xf32>
    %broadcast_in_dim3A = arith.constant 0x7F800000 : f32
    %broadcast_in_dim3A_5 = vector.broadcast %broadcast_in_dim3A : f32 to vector<512xf32>
    %broadcast_in_dim3A_6 = arith.constant 0 : i32
    %broadcast_in_dim3A_7 = vector.broadcast %broadcast_in_dim3A_6 : i32 to vector<512xi32>
    %get3A_8 = arith.constant 0 : index
    %get3A_9 = arith.constant 0 : index
    %get3A_10 = vector.load %arg3[%get3A_8, %get3A_9] : memref<8192x128xf32, #tpu.memory_space<vmem>>, vector<1024x128xf32>
    %get3A_11 = arith.constant 0 : index
    %get3A_12 = arith.constant 0 : index
    %get3A_13 = vector.load %arg4[%get3A_11, %get3A_12] : memref<1x8192xf32, #tpu.memory_space<vmem>>, vector<1x1024xf32>
    %get3A_14 = vector.shape_cast %get3A_13 : vector<1x1024xf32> to vector<1024xf32>
    %dot_general3A = arith.constant dense<0.000000e+00> : vector<512x1024xf32>
    %dot_general3A_15 = tpu.matmul %get3A_1, %get3A_10, %dot_general3A {dimension_numbers = #tpu.dot_dimension_numbers<[1], [1], [0], [0], [0, 0, 1, 0], [], []>, transpose_lhs_hint = false} : vector<512x128xf32>, vector<1024x128xf32>, vector<512x1024xf32> -> vector<512x1024xf32>
    %broadcast_in_dim3A_16 = vector.shape_cast %get3A_14 : vector<1024xf32> to vector<1x1024xf32>
    %add3A = vector.broadcast %get3A_4 : vector<512x1xf32> to vector<512x1024xf32>
    %add3A_17 = vector.broadcast %broadcast_in_dim3A_16 : vector<1x1024xf32> to vector<512x1024xf32>
    %add3A_18 = arith.addf %add3A, %add3A_17 : vector<512x1024xf32>
    %mul3A = arith.constant 2.000000e+00 : f32
    %mul3A_19 = vector.broadcast %mul3A : f32 to vector<512x1024xf32>
    %mul3A_20 = arith.mulf %mul3A_19, %dot_general3A_15 : vector<512x1024xf32>
    %sub3A = arith.subf %add3A_18, %mul3A_20 : vector<512x1024xf32>
    %reduce_min3A = arith.constant dense<0x7F800000> : vector<512xf32>
    %reduce_min3A_21 = vector.multi_reduction <minimumf>, %sub3A, %reduce_min3A [1] : vector<512x1024xf32> to vector<512xf32>
    %argmin3A = tpu.reduce_index %sub3A {axis = 1 : i32, kind = #tpu.reduction_kind<arg_min>} : vector<512x1024xf32> -> vector<512xi32>
    %add3A_22 = arith.constant 0 : i32
    %add3A_23 = vector.broadcast %add3A_22 : i32 to vector<512xi32>
    %add3A_24 = arith.addi %argmin3A, %add3A_23 : vector<512xi32>
    %lt3A = arith.cmpf olt, %reduce_min3A_21, %broadcast_in_dim3A_5 : vector<512xf32>
    %select_n3A = arith.select %lt3A, %reduce_min3A_21, %broadcast_in_dim3A_5 : vector<512xi1>, vector<512xf32>
    %select_n3A_25 = arith.select %lt3A, %add3A_24, %broadcast_in_dim3A_7 : vector<512xi1>, vector<512xi32>
    %get3A_26 = arith.constant 1024 : index
    %get3A_27 = arith.constant 0 : index
    %get3A_28 = vector.load %arg3[%get3A_26, %get3A_27] : memref<8192x128xf32, #tpu.memory_space<vmem>>, vector<1024x128xf32>
    %get3A_29 = arith.constant 0 : index
    %get3A_30 = arith.constant 1024 : index
    %get3A_31 = vector.load %arg4[%get3A_29, %get3A_30] : memref<1x8192xf32, #tpu.memory_space<vmem>>, vector<1x1024xf32>
    %get3A_32 = vector.shape_cast %get3A_31 : vector<1x1024xf32> to vector<1024xf32>
    %dot_general3A_33 = arith.constant dense<0.000000e+00> : vector<512x1024xf32>
    %dot_general3A_34 = tpu.matmul %get3A_1, %get3A_28, %dot_general3A_33 {dimension_numbers = #tpu.dot_dimension_numbers<[1], [1], [0], [0], [0, 0, 1, 0], [], []>, transpose_lhs_hint = false} : vector<512x128xf32>, vector<1024x128xf32>, vector<512x1024xf32> -> vector<512x1024xf32>
    %broadcast_in_dim3A_35 = vector.shape_cast %get3A_32 : vector<1024xf32> to vector<1x1024xf32>
    %add3A_36 = vector.broadcast %get3A_4 : vector<512x1xf32> to vector<512x1024xf32>
    %add3A_37 = vector.broadcast %broadcast_in_dim3A_35 : vector<1x1024xf32> to vector<512x1024xf32>
    %add3A_38 = arith.addf %add3A_36, %add3A_37 : vector<512x1024xf32>
    %mul3A_39 = arith.constant 2.000000e+00 : f32
    %mul3A_40 = vector.broadcast %mul3A_39 : f32 to vector<512x1024xf32>
    %mul3A_41 = arith.mulf %mul3A_40, %dot_general3A_34 : vector<512x1024xf32>
    %sub3A_42 = arith.subf %add3A_38, %mul3A_41 : vector<512x1024xf32>
    %reduce_min3A_43 = arith.constant dense<0x7F800000> : vector<512xf32>
    %reduce_min3A_44 = vector.multi_reduction <minimumf>, %sub3A_42, %reduce_min3A_43 [1] : vector<512x1024xf32> to vector<512xf32>
    %argmin3A_45 = tpu.reduce_index %sub3A_42 {axis = 1 : i32, kind = #tpu.reduction_kind<arg_min>} : vector<512x1024xf32> -> vector<512xi32>
    %add3A_46 = arith.constant 1024 : i32
    %add3A_47 = vector.broadcast %add3A_46 : i32 to vector<512xi32>
    %add3A_48 = arith.addi %argmin3A_45, %add3A_47 : vector<512xi32>
    %lt3A_49 = arith.cmpf olt, %reduce_min3A_44, %select_n3A : vector<512xf32>
    %select_n3A_50 = arith.select %lt3A_49, %reduce_min3A_44, %select_n3A : vector<512xi1>, vector<512xf32>
    %select_n3A_51 = arith.select %lt3A_49, %add3A_48, %select_n3A_25 : vector<512xi1>, vector<512xi32>
    %get3A_52 = arith.constant 2048 : index
    %get3A_53 = arith.constant 0 : index
    %get3A_54 = vector.load %arg3[%get3A_52, %get3A_53] : memref<8192x128xf32, #tpu.memory_space<vmem>>, vector<1024x128xf32>
    %get3A_55 = arith.constant 0 : index
    %get3A_56 = arith.constant 2048 : index
    %get3A_57 = vector.load %arg4[%get3A_55, %get3A_56] : memref<1x8192xf32, #tpu.memory_space<vmem>>, vector<1x1024xf32>
    %get3A_58 = vector.shape_cast %get3A_57 : vector<1x1024xf32> to vector<1024xf32>
    %dot_general3A_59 = arith.constant dense<0.000000e+00> : vector<512x1024xf32>
    %dot_general3A_60 = tpu.matmul %get3A_1, %get3A_54, %dot_general3A_59 {dimension_numbers = #tpu.dot_dimension_numbers<[1], [1], [0], [0], [0, 0, 1, 0], [], []>, transpose_lhs_hint = false} : vector<512x128xf32>, vector<1024x128xf32>, vector<512x1024xf32> -> vector<512x1024xf32>
    %broadcast_in_dim3A_61 = vector.shape_cast %get3A_58 : vector<1024xf32> to vector<1x1024xf32>
    %add3A_62 = vector.broadcast %get3A_4 : vector<512x1xf32> to vector<512x1024xf32>
    %add3A_63 = vector.broadcast %broadcast_in_dim3A_61 : vector<1x1024xf32> to vector<512x1024xf32>
    %add3A_64 = arith.addf %add3A_62, %add3A_63 : vector<512x1024xf32>
    %mul3A_65 = arith.constant 2.000000e+00 : f32
    %mul3A_66 = vector.broadcast %mul3A_65 : f32 to vector<512x1024xf32>
    %mul3A_67 = arith.mulf %mul3A_66, %dot_general3A_60 : vector<512x1024xf32>
    %sub3A_68 = arith.subf %add3A_64, %mul3A_67 : vector<512x1024xf32>
    %reduce_min3A_69 = arith.constant dense<0x7F800000> : vector<512xf32>
    %reduce_min3A_70 = vector.multi_reduction <minimumf>, %sub3A_68, %reduce_min3A_69 [1] : vector<512x1024xf32> to vector<512xf32>
    %argmin3A_71 = tpu.reduce_index %sub3A_68 {axis = 1 : i32, kind = #tpu.reduction_kind<arg_min>} : vector<512x1024xf32> -> vector<512xi32>
    %add3A_72 = arith.constant 2048 : i32
    %add3A_73 = vector.broadcast %add3A_72 : i32 to vector<512xi32>
    %add3A_74 = arith.addi %argmin3A_71, %add3A_73 : vector<512xi32>
    %lt3A_75 = arith.cmpf olt, %reduce_min3A_70, %select_n3A_50 : vector<512xf32>
    %select_n3A_76 = arith.select %lt3A_75, %reduce_min3A_70, %select_n3A_50 : vector<512xi1>, vector<512xf32>
    %select_n3A_77 = arith.select %lt3A_75, %add3A_74, %select_n3A_51 : vector<512xi1>, vector<512xi32>
    %get3A_78 = arith.constant 3072 : index
    %get3A_79 = arith.constant 0 : index
    %get3A_80 = vector.load %arg3[%get3A_78, %get3A_79] : memref<8192x128xf32, #tpu.memory_space<vmem>>, vector<1024x128xf32>
    %get3A_81 = arith.constant 0 : index
    %get3A_82 = arith.constant 3072 : index
    %get3A_83 = vector.load %arg4[%get3A_81, %get3A_82] : memref<1x8192xf32, #tpu.memory_space<vmem>>, vector<1x1024xf32>
    %get3A_84 = vector.shape_cast %get3A_83 : vector<1x1024xf32> to vector<1024xf32>
    %dot_general3A_85 = arith.constant dense<0.000000e+00> : vector<512x1024xf32>
    %dot_general3A_86 = tpu.matmul %get3A_1, %get3A_80, %dot_general3A_85 {dimension_numbers = #tpu.dot_dimension_numbers<[1], [1], [0], [0], [0, 0, 1, 0], [], []>, transpose_lhs_hint = false} : vector<512x128xf32>, vector<1024x128xf32>, vector<512x1024xf32> -> vector<512x1024xf32>
    %broadcast_in_dim3A_87 = vector.shape_cast %get3A_84 : vector<1024xf32> to vector<1x1024xf32>
    %add3A_88 = vector.broadcast %get3A_4 : vector<512x1xf32> to vector<512x1024xf32>
    %add3A_89 = vector.broadcast %broadcast_in_dim3A_87 : vector<1x1024xf32> to vector<512x1024xf32>
    %add3A_90 = arith.addf %add3A_88, %add3A_89 : vector<512x1024xf32>
    %mul3A_91 = arith.constant 2.000000e+00 : f32
    %mul3A_92 = vector.broadcast %mul3A_91 : f32 to vector<512x1024xf32>
    %mul3A_93 = arith.mulf %mul3A_92, %dot_general3A_86 : vector<512x1024xf32>
    %sub3A_94 = arith.subf %add3A_90, %mul3A_93 : vector<512x1024xf32>
    %reduce_min3A_95 = arith.constant dense<0x7F800000> : vector<512xf32>
    %reduce_min3A_96 = vector.multi_reduction <minimumf>, %sub3A_94, %reduce_min3A_95 [1] : vector<512x1024xf32> to vector<512xf32>
    %argmin3A_97 = tpu.reduce_index %sub3A_94 {axis = 1 : i32, kind = #tpu.reduction_kind<arg_min>} : vector<512x1024xf32> -> vector<512xi32>
    %add3A_98 = arith.constant 3072 : i32
    %add3A_99 = vector.broadcast %add3A_98 : i32 to vector<512xi32>
    %add3A_100 = arith.addi %argmin3A_97, %add3A_99 : vector<512xi32>
    %lt3A_101 = arith.cmpf olt, %reduce_min3A_96, %select_n3A_76 : vector<512xf32>
    %select_n3A_102 = arith.select %lt3A_101, %reduce_min3A_96, %select_n3A_76 : vector<512xi1>, vector<512xf32>
    %select_n3A_103 = arith.select %lt3A_101, %add3A_100, %select_n3A_77 : vector<512xi1>, vector<512xi32>
    %get3A_104 = arith.constant 4096 : index
    %get3A_105 = arith.constant 0 : index
    %get3A_106 = vector.load %arg3[%get3A_104, %get3A_105] : memref<8192x128xf32, #tpu.memory_space<vmem>>, vector<1024x128xf32>
    %get3A_107 = arith.constant 0 : index
    %get3A_108 = arith.constant 4096 : index
    %get3A_109 = vector.load %arg4[%get3A_107, %get3A_108] : memref<1x8192xf32, #tpu.memory_space<vmem>>, vector<1x1024xf32>
    %get3A_110 = vector.shape_cast %get3A_109 : vector<1x1024xf32> to vector<1024xf32>
    %dot_general3A_111 = arith.constant dense<0.000000e+00> : vector<512x1024xf32>
    %dot_general3A_112 = tpu.matmul %get3A_1, %get3A_106, %dot_general3A_111 {dimension_numbers = #tpu.dot_dimension_numbers<[1], [1], [0], [0], [0, 0, 1, 0], [], []>, transpose_lhs_hint = false} : vector<512x128xf32>, vector<1024x128xf32>, vector<512x1024xf32> -> vector<512x1024xf32>
    %broadcast_in_dim3A_113 = vector.shape_cast %get3A_110 : vector<1024xf32> to vector<1x1024xf32>
    %add3A_114 = vector.broadcast %get3A_4 : vector<512x1xf32> to vector<512x1024xf32>
    %add3A_115 = vector.broadcast %broadcast_in_dim3A_113 : vector<1x1024xf32> to vector<512x1024xf32>
    %add3A_116 = arith.addf %add3A_114, %add3A_115 : vector<512x1024xf32>
    %mul3A_117 = arith.constant 2.000000e+00 : f32
    %mul3A_118 = vector.broadcast %mul3A_117 : f32 to vector<512x1024xf32>
    %mul3A_119 = arith.mulf %mul3A_118, %dot_general3A_112 : vector<512x1024xf32>
    %sub3A_120 = arith.subf %add3A_116, %mul3A_119 : vector<512x1024xf32>
    %reduce_min3A_121 = arith.constant dense<0x7F800000> : vector<512xf32>
    %reduce_min3A_122 = vector.multi_reduction <minimumf>, %sub3A_120, %reduce_min3A_121 [1] : vector<512x1024xf32> to vector<512xf32>
    %argmin3A_123 = tpu.reduce_index %sub3A_120 {axis = 1 : i32, kind = #tpu.reduction_kind<arg_min>} : vector<512x1024xf32> -> vector<512xi32>
    %add3A_124 = arith.constant 4096 : i32
    %add3A_125 = vector.broadcast %add3A_124 : i32 to vector<512xi32>
    %add3A_126 = arith.addi %argmin3A_123, %add3A_125 : vector<512xi32>
    %lt3A_127 = arith.cmpf olt, %reduce_min3A_122, %select_n3A_102 : vector<512xf32>
    %select_n3A_128 = arith.select %lt3A_127, %reduce_min3A_122, %select_n3A_102 : vector<512xi1>, vector<512xf32>
    %select_n3A_129 = arith.select %lt3A_127, %add3A_126, %select_n3A_103 : vector<512xi1>, vector<512xi32>
    %get3A_130 = arith.constant 5120 : index
    %get3A_131 = arith.constant 0 : index
    %get3A_132 = vector.load %arg3[%get3A_130, %get3A_131] : memref<8192x128xf32, #tpu.memory_space<vmem>>, vector<1024x128xf32>
    %get3A_133 = arith.constant 0 : index
    %get3A_134 = arith.constant 5120 : index
    %get3A_135 = vector.load %arg4[%get3A_133, %get3A_134] : memref<1x8192xf32, #tpu.memory_space<vmem>>, vector<1x1024xf32>
    %get3A_136 = vector.shape_cast %get3A_135 : vector<1x1024xf32> to vector<1024xf32>
    %dot_general3A_137 = arith.constant dense<0.000000e+00> : vector<512x1024xf32>
    %dot_general3A_138 = tpu.matmul %get3A_1, %get3A_132, %dot_general3A_137 {dimension_numbers = #tpu.dot_dimension_numbers<[1], [1], [0], [0], [0, 0, 1, 0], [], []>, transpose_lhs_hint = false} : vector<512x128xf32>, vector<1024x128xf32>, vector<512x1024xf32> -> vector<512x1024xf32>
    %broadcast_in_dim3A_139 = vector.shape_cast %get3A_136 : vector<1024xf32> to vector<1x1024xf32>
    %add3A_140 = vector.broadcast %get3A_4 : vector<512x1xf32> to vector<512x1024xf32>
    %add3A_141 = vector.broadcast %broadcast_in_dim3A_139 : vector<1x1024xf32> to vector<512x1024xf32>
    %add3A_142 = arith.addf %add3A_140, %add3A_141 : vector<512x1024xf32>
    %mul3A_143 = arith.constant 2.000000e+00 : f32
    %mul3A_144 = vector.broadcast %mul3A_143 : f32 to vector<512x1024xf32>
    %mul3A_145 = arith.mulf %mul3A_144, %dot_general3A_138 : vector<512x1024xf32>
    %sub3A_146 = arith.subf %add3A_142, %mul3A_145 : vector<512x1024xf32>
    %reduce_min3A_147 = arith.constant dense<0x7F800000> : vector<512xf32>
    %reduce_min3A_148 = vector.multi_reduction <minimumf>, %sub3A_146, %reduce_min3A_147 [1] : vector<512x1024xf32> to vector<512xf32>
    %argmin3A_149 = tpu.reduce_index %sub3A_146 {axis = 1 : i32, kind = #tpu.reduction_kind<arg_min>} : vector<512x1024xf32> -> vector<512xi32>
    %add3A_150 = arith.constant 5120 : i32
    %add3A_151 = vector.broadcast %add3A_150 : i32 to vector<512xi32>
    %add3A_152 = arith.addi %argmin3A_149, %add3A_151 : vector<512xi32>
    %lt3A_153 = arith.cmpf olt, %reduce_min3A_148, %select_n3A_128 : vector<512xf32>
    %select_n3A_154 = arith.select %lt3A_153, %reduce_min3A_148, %select_n3A_128 : vector<512xi1>, vector<512xf32>
    %select_n3A_155 = arith.select %lt3A_153, %add3A_152, %select_n3A_129 : vector<512xi1>, vector<512xi32>
    %get3A_156 = arith.constant 6144 : index
    %get3A_157 = arith.constant 0 : index
    %get3A_158 = vector.load %arg3[%get3A_156, %get3A_157] : memref<8192x128xf32, #tpu.memory_space<vmem>>, vector<1024x128xf32>
    %get3A_159 = arith.constant 0 : index
    %get3A_160 = arith.constant 6144 : index
    %get3A_161 = vector.load %arg4[%get3A_159, %get3A_160] : memref<1x8192xf32, #tpu.memory_space<vmem>>, vector<1x1024xf32>
    %get3A_162 = vector.shape_cast %get3A_161 : vector<1x1024xf32> to vector<1024xf32>
    %dot_general3A_163 = arith.constant dense<0.000000e+00> : vector<512x1024xf32>
    %dot_general3A_164 = tpu.matmul %get3A_1, %get3A_158, %dot_general3A_163 {dimension_numbers = #tpu.dot_dimension_numbers<[1], [1], [0], [0], [0, 0, 1, 0], [], []>, transpose_lhs_hint = false} : vector<512x128xf32>, vector<1024x128xf32>, vector<512x1024xf32> -> vector<512x1024xf32>
    %broadcast_in_dim3A_165 = vector.shape_cast %get3A_162 : vector<1024xf32> to vector<1x1024xf32>
    %add3A_166 = vector.broadcast %get3A_4 : vector<512x1xf32> to vector<512x1024xf32>
    %add3A_167 = vector.broadcast %broadcast_in_dim3A_165 : vector<1x1024xf32> to vector<512x1024xf32>
    %add3A_168 = arith.addf %add3A_166, %add3A_167 : vector<512x1024xf32>
    %mul3A_169 = arith.constant 2.000000e+00 : f32
    %mul3A_170 = vector.broadcast %mul3A_169 : f32 to vector<512x1024xf32>
    %mul3A_171 = arith.mulf %mul3A_170, %dot_general3A_164 : vector<512x1024xf32>
    %sub3A_172 = arith.subf %add3A_168, %mul3A_171 : vector<512x1024xf32>
    %reduce_min3A_173 = arith.constant dense<0x7F800000> : vector<512xf32>
    %reduce_min3A_174 = vector.multi_reduction <minimumf>, %sub3A_172, %reduce_min3A_173 [1] : vector<512x1024xf32> to vector<512xf32>
    %argmin3A_175 = tpu.reduce_index %sub3A_172 {axis = 1 : i32, kind = #tpu.reduction_kind<arg_min>} : vector<512x1024xf32> -> vector<512xi32>
    %add3A_176 = arith.constant 6144 : i32
    %add3A_177 = vector.broadcast %add3A_176 : i32 to vector<512xi32>
    %add3A_178 = arith.addi %argmin3A_175, %add3A_177 : vector<512xi32>
    %lt3A_179 = arith.cmpf olt, %reduce_min3A_174, %select_n3A_154 : vector<512xf32>
    %select_n3A_180 = arith.select %lt3A_179, %reduce_min3A_174, %select_n3A_154 : vector<512xi1>, vector<512xf32>
    %select_n3A_181 = arith.select %lt3A_179, %add3A_178, %select_n3A_155 : vector<512xi1>, vector<512xi32>
    %get3A_182 = arith.constant 7168 : index
    %get3A_183 = arith.constant 0 : index
    %get3A_184 = vector.load %arg3[%get3A_182, %get3A_183] : memref<8192x128xf32, #tpu.memory_space<vmem>>, vector<1024x128xf32>
    %get3A_185 = arith.constant 0 : index
    %get3A_186 = arith.constant 7168 : index
    %get3A_187 = vector.load %arg4[%get3A_185, %get3A_186] : memref<1x8192xf32, #tpu.memory_space<vmem>>, vector<1x1024xf32>
    %get3A_188 = vector.shape_cast %get3A_187 : vector<1x1024xf32> to vector<1024xf32>
    %dot_general3A_189 = arith.constant dense<0.000000e+00> : vector<512x1024xf32>
    %dot_general3A_190 = tpu.matmul %get3A_1, %get3A_184, %dot_general3A_189 {dimension_numbers = #tpu.dot_dimension_numbers<[1], [1], [0], [0], [0, 0, 1, 0], [], []>, transpose_lhs_hint = false} : vector<512x128xf32>, vector<1024x128xf32>, vector<512x1024xf32> -> vector<512x1024xf32>
    %broadcast_in_dim3A_191 = vector.shape_cast %get3A_188 : vector<1024xf32> to vector<1x1024xf32>
    %add3A_192 = vector.broadcast %get3A_4 : vector<512x1xf32> to vector<512x1024xf32>
    %add3A_193 = vector.broadcast %broadcast_in_dim3A_191 : vector<1x1024xf32> to vector<512x1024xf32>
    %add3A_194 = arith.addf %add3A_192, %add3A_193 : vector<512x1024xf32>
    %mul3A_195 = arith.constant 2.000000e+00 : f32
    %mul3A_196 = vector.broadcast %mul3A_195 : f32 to vector<512x1024xf32>
    %mul3A_197 = arith.mulf %mul3A_196, %dot_general3A_190 : vector<512x1024xf32>
    %sub3A_198 = arith.subf %add3A_194, %mul3A_197 : vector<512x1024xf32>
    %reduce_min3A_199 = arith.constant dense<0x7F800000> : vector<512xf32>
    %reduce_min3A_200 = vector.multi_reduction <minimumf>, %sub3A_198, %reduce_min3A_199 [1] : vector<512x1024xf32> to vector<512xf32>
    %argmin3A_201 = tpu.reduce_index %sub3A_198 {axis = 1 : i32, kind = #tpu.reduction_kind<arg_min>} : vector<512x1024xf32> -> vector<512xi32>
    %add3A_202 = arith.constant 7168 : i32
    %add3A_203 = vector.broadcast %add3A_202 : i32 to vector<512xi32>
    %add3A_204 = arith.addi %argmin3A_201, %add3A_203 : vector<512xi32>
    %lt3A_205 = arith.cmpf olt, %reduce_min3A_200, %select_n3A_180 : vector<512xf32>
    %select_n3A_206 = arith.select %lt3A_205, %add3A_204, %select_n3A_181 : vector<512xi1>, vector<512xi32>
    %swap3A = arith.constant 0 : index
    %swap3A_207 = arith.constant 0 : index
    %swap3A_208 = arith.constant 0 : index
    %swap3A_209 = vector.load %arg5[%swap3A, %swap3A_207, %swap3A_208] : memref<1x1x512xi32, #tpu.memory_space<vmem>>, vector<1x1x512xi32>
    %swap3A_210 = vector.shape_cast %swap3A_209 : vector<1x1x512xi32> to vector<512xi32>
    %swap3A_211 = vector.shape_cast %select_n3A_206 : vector<512xi32> to vector<1x1x512xi32>
    tpu.vector_store %arg5[%swap3A, %swap3A_207, %swap3A_208], %swap3A_211 {strides = array<i32>} : memref<1x1x512xi32, #tpu.memory_space<vmem>>, vector<1x1x512xi32>,
    return
  }
  func.func @transform_0(%arg0: i32) -> (i32, i32) {
    %c0_i32 = arith.constant 0 : i32
    %c0_i32_0 = arith.constant 0 : i32
    return %arg0, %c0_i32 : i32, i32
  }
  func.func @transform_1(%arg0: i32) -> (i32, i32) {
    %c0_i32 = arith.constant 0 : i32
    %c0_i32_0 = arith.constant 0 : i32
    return %arg0, %c0_i32 : i32, i32
  }
  func.func @transform_2(%arg0: i32) -> (i32, i32) {
    %c0_i32 = arith.constant 0 : i32
    %c0_i32_0 = arith.constant 0 : i32
    %c0_i32_1 = arith.constant 0 : i32
    return %c0_i32, %c0_i32_0 : i32, i32
  }
  func.func @transform_3(%arg0: i32) -> (i32, i32) {
    %c0_i32 = arith.constant 0 : i32
    %c0_i32_0 = arith.constant 0 : i32
    %c0_i32_1 = arith.constant 0 : i32
    return %c0_i32, %c0_i32_0 : i32, i32
  }
  func.func @transform_4(%arg0: i32) -> (i32, i32, i32) {
    %c0_i32 = arith.constant 0 : i32
    %c0_i32_0 = arith.constant 0 : i32
    %c0_i32_1 = arith.constant 0 : i32
    return %arg0, %c0_i32, %c0_i32_0 : i32, i32, i32
  }
}

</mosaic_0001>

<sc_bundles>
// kernel: kernel.4.cloned.1.call-start
scs
__scs_entry_jumppad:
0x0: {  	(pc) =	sbr.rel $0x88, $3  }
0x1: {  	(tag) =	ssettag $0x0;
	lr =	simm.s32 $0x1  }
0x2: {  	[smem:$0x3F9F] =	sst lr;
	_ =	strace $0xD0000000  }
0x3: {  	_ = 	snop  }
0x4: {  	_ = 	snop  }
0x5: {  	_ = 	snop  }
0x6: {  	_ = 	snop  }
0x7: {  	_ = 	snop  }
__scs_overlays_trampoline_lowered:
0x8: {  	[smem:$0x3FAE] =	sst s0  }
0x9: {  	[smem:$0x3FAF] =	sst s1  }
0xa: {  	[smem:$0x3FB0] =	sst s2  }
0xb: {  	[smem:$0x3FB1] =	sst s3  }
0xc: {  	[smem:$0x3FB2] =	sst s4  }
0xd: {  	[smem:$0x3FB3] =	sst s5  }
0xe: {  	[smem:$0x3FB4] =	sst s6  }
0xf: {  	[smem:$0x3FB5] =	sst s7  }
0x10: {  	[smem:$0x3FB6] =	sst s8  }
0x11: {  	[smem:$0x3FB7] =	sst s9;
	s0 =	simm.s32 @!p0 $0x0  }
0x12: {  	s1 =	sld [smem:$0x3F9D];
	s0 =	simm.s32 @p0 $0x1  }
0x13: {  	[smem:$0x3FB8] =	sst s0;
	s0 =	simm.s32 @!p1 $0x0  }
0x14: {  	s2 =	sld [smem:$0x3F9C];
	s0 =	simm.s32 @p1 $0x1  }
0x15: {  	[smem:$0x3FB9] =	sst s0;
	s0 =	simm.s32 @!p2 $0x0  }
0x16: {  	s3 =	sld [smem:$0x3FDB];
	s0 =	simm.s32 @p2 $0x1  }
0x17: {  	s4 =	simm.s32 $0x1BF5;
	[smem:$0x3FBB] =	sst s0  }
0x18: {  	s0 =	sld [smem:$0x3F9E];
	_ =	swait.ge [sflag:s4], $0x0  }
0x19: {  	s7 =	sld [smem:$0x3F9F]  }
0x1a: {  	s8 =	sadd.s32 $0xFFFFE003, lr  }
0x1b: {  	s9 =	sadd.s32 $0xFFFFFEF7, lr;
	s5 =	simm.s32 $0xFFFFFFFF;
	p2 =	slt.u32 s8, $0xFFFFF086  }
0x1c: {  	p1 =	slt.u32 s9, $0xF7A;
	s5 =	simm.s32 @!p2 $0x0  }
0x1d: {  	s5 =	simm.s32 @p1 $0x1;
	p0 =	seq.s32 s7, s2  }
0x1e: {  	s7 =	smul.u32 @!p0 $0xF7A, s2;
	p2 =	seq.s32 @!p0 s5, $0x0  }
0x1f: {  	s9 =	smul.u32 $0xF7A, s1;
	s8 =	simm.s32 @!p0 $0x1BF5;
	p2 =	por !p2, p0  }
0x20: {  	[sflag:s8] =	ssyncset.s32 @!p0 $0xFFFFF086;
	s6 =	sadd.s32 @!p0 s3, s7;
	s7 =	simm.s32 @!p0 $0x108  }
0x21: {  	s3 =	sadd.s32 s3, s9;
	s6 =	sadd.s32 @!p0 $0x88, s6;
	s7 =	simm.s32 @p2 $0x1082  }
0x22: {  	[simem:s7], [sflag:s8] =	dma.local @!p0 [hbm:s6], $0xF7A  }
0x23: {  	s9 =	sor.u32 $0xD0000000, s2;
	s6 =	simm.s32 $0x108;
	_ =	swait.ge @!p0 [sflag:s8], $0x0  }
0x24: {  	s3 =	sadd.s32 $0x88, s3;
	s6 =	simm.s32 @!p1 $0x1082;
	[sflag:s4] =	ssyncset.s32 $0xFFFFF086  }
0x25: {  	[simem:s6], [sflag:s4] =	dma.local [hbm:s3], $0xF7A  }
0x26: {  	[smem:$0x3F9F] =	sst s1;
	(tag) =	ssettag s2;
	_ =	strace s9  }
0x27: {  	s1 =	sld [smem:$0x3FAF]  }
0x28: {  	s2 =	sld [smem:$0x3FB0]  }
0x29: {  	s4 =	sld [smem:$0x3FB2]  }
0x2a: {  	p0 =	seq.s32 s5, $0x0;
	s5 =	sld [smem:$0x3FB3]  }
0x2b: {  	s6 =	sld [smem:$0x3FB4]  }
0x2c: {  	s7 =	sld [smem:$0x3FB5]  }
0x2d: {  	s3 =	simm.s32 $0x108;
	s8 =	sld [smem:$0x3FB6]  }
0x2e: {  	s3 =	simm.s32 @!p0 $0x1082;
	s9 =	sld [smem:$0x3FB7]  }
0x2f: {  	lr =	sadd.s32 s0, s3;
	s0 =	sld [smem:$0x3FAE]  }
0x30: {  	s3 =	sld [smem:$0x3FB1]  }
0x31: {  	[smem:$0x3FBA] =	sst s10  }
0x32: {  	s10 =	sld [smem:$0x3FB8];
	_ =	sdelay $0x3  }
0x33: {  	p0 =	seq.s32 s10, $0x1;
	s10 =	sld [smem:$0x3FBA];
	_ =	sdelay $0x3  }
0x34: {  	[smem:$0x3FBA] =	sst s10  }
0x35: {  	s10 =	sld [smem:$0x3FB9];
	_ =	sdelay $0x3  }
0x36: {  	p1 =	seq.s32 s10, $0x1;
	s10 =	sld [smem:$0x3FBA];
	_ =	sdelay $0x3  }
0x37: {  	[smem:$0x3FBA] =	sst s10  }
0x38: {  	s10 =	sld [smem:$0x3FBB]  }
0x39: {  	_ = 	snop;
	(pc) =	sbr.ind lr, $3  }
0x3a: {  	_ = 	snop  }
0x3b: {  	_ = 	snop  }
0x3c: {  	p2 =	seq.s32 s10, $0x1;
	s10 =	sld [smem:$0x3FBA]  }
0x3d: {  	_ =	shalt  }
0x3e: {  	_ =	shalt  }
0x3f: {  	_ =	shalt  }
0x40: {  	_ =	shalt  }
0x41: {  	_ =	shalt  }
0x42: {  	_ =	shalt  }
0x43: {  	_ =	shalt  }
0x44: {  	_ =	shalt  }
0x45: {  	_ =	shalt  }
0x46: {  	_ =	shalt  }
0x47: {  	_ =	shalt  }
0x48: {  	_ =	shalt  }
0x49: {  	_ =	shalt  }
0x4a: {  	_ =	shalt  }
0x4b: {  	_ =	shalt  }
0x4c: {  	_ =	shalt  }
0x4d: {  	_ =	shalt  }
0x4e: {  	_ =	shalt  }
0x4f: {  	_ =	shalt  }
0x50: {  	_ =	shalt  }
0x51: {  	_ =	shalt  }
0x52: {  	_ =	shalt  }
0x53: {  	_ =	shalt  }
0x54: {  	_ =	shalt  }
0x55: {  	_ =	shalt  }
0x56: {  	_ =	shalt  }
0x57: {  	_ =	shalt  }
0x58: {  	_ =	shalt  }
0x59: {  	_ =	shalt  }
0x5a: {  	_ =	shalt  }
0x5b: {  	_ =	shalt  }
0x5c: {  	_ =	shalt  }
0x5d: {  	_ =	shalt  }
0x5e: {  	_ =	shalt  }
0x5f: {  	_ =	shalt  }
0x60: {  	_ =	shalt  }
0x61: {  	_ =	shalt  }
0x62: {  	_ =	shalt  }
0x63: {  	_ =	shalt  }
0x64: {  	_ =	shalt  }
0x65: {  	_ =	shalt  }
0x66: {  	_ =	shalt  }
0x67: {  	_ =	shalt  }
0x68: {  	_ =	shalt  }
0x69: {  	_ =	shalt  }
0x6a: {  	_ =	shalt  }
0x6b: {  	_ =	shalt  }
0x6c: {  	_ =	shalt  }
0x6d: {  	_ =	shalt  }
0x6e: {  	_ =	shalt  }
0x6f: {  	_ =	shalt  }
0x70: {  	_ =	shalt  }
0x71: {  	_ =	shalt  }
0x72: {  	_ =	shalt  }
0x73: {  	_ =	shalt  }
0x74: {  	_ =	shalt  }
0x75: {  	_ =	shalt  }
0x76: {  	_ =	shalt  }
0x77: {  	_ =	shalt  }
0x78: {  	_ =	shalt  }
0x79: {  	_ =	shalt  }
0x7a: {  	_ =	shalt  }
0x7b: {  	_ =	shalt  }
0x7c: {  	_ =	shalt  }
0x7d: {  	_ =	shalt  }
0x7e: {  	_ =	shalt  }
0x7f: {  	_ =	shalt  }
0x80: {  	_ =	shalt  }
0x81: {  	_ =	shalt  }
0x82: {  	_ =	shalt  }
0x83: {  	_ =	shalt  }
0x84: {  	_ =	shalt  }
0x85: {  	_ =	shalt  }
0x86: {  	_ =	shalt  }
0x87: {  	_ =	shalt  }
.Lfunc_end0:
.L_simem_size_0:
called_computation_lowered:
.L_overlay_start_0:
0x88: {  	s2 =	sld [smem:$0x3FD9]  }
0x89: {  	s3 =	sld [smem:$0x3FFE];
	_ =	sdelay $0x1  }
0x8a: {  	s1 =	srdreg.scid  }
0x8b: {  	s0 =	sand.u32 $0x1, s1  }
0x8c: {  	s14 =	sshll.u32 s0, $0xA;
	s2 =	sadd.s32 s3, s2  }
0x8d: {  	s2 =	sadd.s32 s2, s14  }
0x8e: {  	[smem:$0x3FC6] =	sst s2  }
0x8f: {  	_ = 	snop  }
0x90: {  	s2 =	sld [smem:$0x3FD0];
	_ =	sdelay $0x1  }
0x91: {  	s15 =	sld [smem:$0x3FC9]  }
0x92: {  	s5 =	simm.s32 $0xA;
	s6 =	simm.s32 $0x10;
	s4 =	sld [smem:$0x3FC8]  }
0x93: {  	[smem:s6], [sflag:s5] =	dma.local [hbm:s2], $0x1  }
0x94: {  	_ =	swait.eq [sflag:s5], $0x1  }
0x95: {  	[sflag:s5] =	ssyncset.done $0x0  }
0x96: {  	[sflag:s5] =	ssyncadd.s32 $0xFFFFFFFF  }
0x97: {  	s16 =	sld [smem:$0x10];
	(tm) =	ssettm $0x1  }
0x98: {  	s17 =	sld [smem:$0x3FFB];
	_ =	sdelay $0x3  }
0x99: {  	_ =	strace s17  }
0x9a: {  	s5 =	sld [smem:$0x3FFC];
	_ =	sdelay $0x3  }
0x9b: {  	_ =	strace s5  }
0x9c: {  	s5 =	sld [smem:$0x3FFD];
	_ =	sdelay $0x3  }
0x9d: {  	_ =	strace s5  }
0x9e: {  	_ =	strace $0x8FFFFFFF  }
0x9f: {  	s18 =	sld [smem:$0x3FDB];
	_ =	sdelay $0x1  }
0xa0: {  	s19 =	simm.s32 $_scs_section_size  }
0xa1: {  	s7 =	simm.s32 $_size__tile_overlayer_lowered;
	s8 =	simm.s32 $_tile_overlayer_lowered  }
0xa2: {  	s22 =	simm.s32 $0x1BFF;
	s21 =	sshll.u32 s8, $0x1;
	s5 =	sadd.s32 s19, s18  }
0xa3: {  	s9 =	simm.s32 $0x0;
	s20 =	sshll.u32 s7, $0x1;
	s7 =	sadd.s32 s21, s5  }
0xa4: {  	[timem:s9], [sflag:s22] =	dma.local [hbm:s7], s20  }
0xa5: {  	_ =	swait.ge [sflag:s22], s20  }
0xa6: {  	s6 =	ssub.s32 $0x0, s20;
	[sflag:s22] =	ssyncset.done $0x0  }
0xa7: {  	[sflag:s22] =	ssyncadd.s32 s6;
	_ =	sdelay $0x1  }
0xa8: {  	s23 =	simm.s32 $0x1B8B  }
0xa9: {  	_ =	swait.ge [sflag:s23], $0x1  }
0xaa: {  	[sflag:s23] =	ssyncset.done $0x0  }
0xab: {  	s25 =	simm.s32 $0x1B8E;
	s24 =	sld [smem:$0x3FFE];
	[sflag:s23] =	ssyncadd.s32 $0xFFFFFFFF  }
0xac: {  	s26 =	simm.s32 $execute0_lowered;
	[smem:$0x3FD2] =	sst s25  }
0xad: {  	s7 =	sshll.u32 s26, $0x1;
	_ =	strace $0x80000046;
	[dreg:$0x1] =	wrdreg $0xFFFFFFFF  }
0xae: {  	s28 =	simm.s32 $_size_execute0_lowered;
	s5 =	sadd.s32 s5, s7;
	[dreg:$0x0] =	wrdreg $0x0  }
0xaf: {  	s7 =	sshll.u32 s28, $0x1;
	[dreg:$0x2] =	wrdreg s5  }
0xb0: {  	[dreg:$0x3] =	wrdreg s7  }
0xb1: {  	[dreg:$0x4] =	wrdreg $0xC0  }
0xb2: {  	_ =	task [dreg:s9], $0x5FFFF  }
0xb3: {  	[dreg:$0x1] =	wrdreg $0xFFFFFFFF  }
0xb4: {  	[dreg:$0x0] =	wrdreg $0x60  }
0xb5: {  	[dreg:$0x2] =	wrdreg s4  }
0xb6: {  	[dreg:$0x3] =	wrdreg s24  }
0xb7: {  	[dreg:$0x4] =	wrdreg s15  }
0xb8: {  	[dreg:$0x5] =	wrdreg s16  }
0xb9: {  	[dreg:$0x6] =	wrdreg $0x9  }
0xba: {  	_ =	task.clear_ibuf [dreg:s9], $0x7FFFF;
	_ =	strace $0x90000046  }
0xbb: {  	s29 =	simm.s32 $0x9;
	_ =	strace $0x80000048  }
0xbc: {  	_ =	swait.ge [sflag:s29], $0x1  }
0xbd: {  	[sflag:s29] =	ssyncadd.s32 $0xFFFFFFFF  }
0xbe: {  	_ =	strace $0x90000048  }
0xbf: {  	_ =	sfence  }
0xc0: {  	s30 =	sld [smem:$0x0];
	_ =	sdelay $0x2  }
0xc1: {  	s31 =	sshll.u32 s1, $0xD;
	s1 =	sshrl.u32 s1, $0x2  }
0xc2: {  	s3 =	sand.u32 $0x4000, s31;
	s1 =	sadd.s32 s1, s30  }
0xc3: {  	s0 =	sor.u32 s3, s0;
	s1 =	sshll.u32 s1, $0x11  }
0xc4: {  	s0 =	sor.u32 s1, s0  }
0xc5: {  	s0 =	sadd.s32 $0x8F2B, s0  }
0xc6: {  	[sflag:s0] =	ssyncadd.remote.s32 $0x1  }
0xc7: {  	_ =	sfence.sel $0xFFFF  }
0xc8: {  	[dreg:$0x0] =	wrdreg $0xFFFFFFFF;
	(pc) =	sbr.abs _section_cstart, $3  }
0xc9: {  	[dreg:$0x1] =	wrdreg $0xFFFFFFFF  }
0xca: {  	_ =	task.clear_ibuf [dreg:s9], $0x2FFFF;
	_ =	strace $0x9FFFFFFF  }
0xcb: {  	(tm) =	ssettm $0x7FFFFFFF  }
tec
execute0_lowered:
.L_overlay_start_1:
0x0: {  	(tag) =	ssettag $0x1  }
0x1: {  	s1 =	rddreg [dreg:$0x0]  }
0x2: {  	s4 =	rddreg [dreg:$0x1]  }
0x3: {  	s5 =	rddreg [dreg:$0x2]  }
0x4: {  	s6 =	rddreg [dreg:$0x3]  }
0x5: {  	s0 =	rddreg [dreg:$0x4];
	s3 =	simm.s32 $0x0;
	s7 =	srdreg.scid  }
0x6: {  	s2 =	stileid.u32;
	s12 =	simm.s32 $0x4100;
	s13 =	simm.s32 $0x8100  }
0x7: {  	s14 =	simm.s32 $0x1;
	s15 =	simm.s32 $0x10100;
	s16 =	simm.s32 $0x0  }
0x8: {  	[smem:$0x7FF] =	sst s3;
	s7 =	sand.u32 $0x1, s7;
	s8 =	sshll.u32 s2, $0x1  }
0x9: {  	_ =	strace $0x80000047;
	s8 =	sor.u32 s7, s8;
	s7 =	ssub.s32 $0x2, s7  }
0xa: {  	s9 =	sshll.u32 s8, $0x5;
	s10 =	sshll.u32 s8, $0x4;
	s30 =	sshrl.u32 s7, $0x1  }
0xb: {  	s31 =	sshll.u32 s8, $0xC;
	s9 =	sadd.s32 s9, s4;
	s10 =	sadd.s32 s10, s4  }
0xc: {  	s11 =	ssub.s32 s7, s30;
	s5 =	sadd.s32 s5, s31;
	s6 =	sadd.s32 s6, s31  }
0xd: {  	s4 =	sadd.s32 $0x200, s9;
	s7 =	sadd.s32 $0x600, s10;
	s8 =	smax.u32 s11, $0x1  }
0xe: {  	s9 =	simm.s32 $0x2;
	s10 =	simm.s32 $0x80;
	s11 =	simm.s32 $0x100  }
.LBB2_1:
0xf: {  	[tilespmem:s3], [sflag:$0x2] =	stream.linear.gather [hbm4b:s4+s3], $0x100, $0x38;
	[tilespmem:$0x10180] =	vst v63  }
0x10: {  	_ =	swait.ge [sflag:s9], $0x100  }
0x11: {  	[sflag:s9] =	ssyncset.done $0x0  }
0x12: {  	[sflag:s9] =	ssyncadd.s32 $0xFFFFFF00  }
0x13: {  	[tilespmem:s11], [sflag:$0x1] =	stream.indirect.gather [hbm4b:s1+s10], $0x80, s3, s10, $0xb8;
	[tilespmem:$0x10180] =	vst v63  }
0x14: {  	_ = 	snop  }
0x15: {  	[tilespmem:s12], [sflag:$0x1] =	stream.indirect.gather [hbm4b:s1+s10], $0x80, s10, s10, $0xb8;
	[tilespmem:$0x10180] =	vst v63  }
0x16: {  	_ = 	snop  }
0x17: {  	[tilespmem:s13], [sflag:$0x2] =	stream.linear.gather [hbm4b:s5+s3], $0x8000, $0x38;
	[tilespmem:$0x10180] =	vst v63  }
0x18: {  	_ =	swait.ge [sflag:s9], $0x8000  }
0x19: {  	[sflag:s9] =	ssyncset.done $0x0  }
0x1a: {  	[sflag:s9] =	ssyncadd.s32 $0xFFFF8000  }
0x1b: {  	_ =	swait.ge [sflag:s14], $0x4000  }
0x1c: {  	[sflag:s14] =	ssyncset.done $0x0  }
0x1d: {  	[sflag:s14] =	ssyncadd.s32 $0xFFFFC000  }
0x1e: {  	_ =	swait.ge [sflag:s14], $0x4000  }
0x1f: {  	[sflag:s14] =	ssyncset.done $0x0  }
0x20: {  	s18 =	simm.s32 $0x0;
	[sflag:s14] =	ssyncadd.s32 $0xFFFFC000  }
0x21: {  	v0 =	vld [tilespmem:s18+$0x100]  }
0x22: {  	v1 =	vld [tilespmem:s18+$0x8100]  }
0x23: {  	v2 =	vld [tilespmem:s18+$0x110]  }
0x24: {  	v3 =	vld [tilespmem:s18+$0x8110]  }
0x25: {  	v4 =	vld [tilespmem:s18+$0x120]  }
0x26: {  	v5 =	vld [tilespmem:s18+$0x8120]  }
0x27: {  	v6 =	vld [tilespmem:s18+$0x8130];
	v0 =	vsub.f32 v0, v1  }
0x28: {  	v1 =	vld [tilespmem:s18+$0x130]  }
0x29: {  	v7 =	vld [tilespmem:s18+$0x140];
	v2 =	vsub.f32 v2, v3;
	v0 =	vmul.f32 v0, v0  }
0x2a: {  	v8 =	vld [tilespmem:s18+$0x8140];
	v3 =	vimm.f32 $0.0e+00  }
0x2b: {  	v9 =	vld [tilespmem:s18+$0x150];
	v2 =	vmul.f32 v2, v2;
	v0 =	vadd.f32 v0, v3;
	v3 =	vsub.f32 v4, v5  }
0x2c: {  	v10 =	vld [tilespmem:s18+$0x8150]  }
0x2d: {  	v1 =	vsub.f32 v1, v6;
	v2 =	vadd.f32 v2, v0;
	v4 =	vmul.f32 v3, v3;
	v0 =	vld [tilespmem:s18+$0x160]  }
0x2e: {  	v3 =	vld [tilespmem:s18+$0x8160]  }
0x2f: {  	v7 =	vsub.f32 v7, v8;
	v6 =	vmul.f32 v1, v1;
	v1 =	vld [tilespmem:s18+$0x170];
	v5 =	vadd.f32 v4, v2  }
0x30: {  	s17 =	simm.s32 $0x80;
	v4 =	vld [tilespmem:s18+$0x8170]  }
0x31: {  	v2 =	vld [tilespmem:s17+$0x100];
	s18 =	simm.s32 $0x400;
	v5 =	vadd.f32 v6, v5;
	v6 =	vmul.f32 v7, v7;
	v7 =	vsub.f32 v9, v10  }
.LBB2_2:
0x32: {  	p0 =	sne.s32 s18, $0x1FE00;
	v8 =	vld [tilespmem:s17+$0x8100]  }
0x33: {  	v9 =	vld [tilespmem:s17+$0x110];
	v5 =	vadd.f32 v6, v5;
	v6 =	vmul.f32 v7, v7;
	v0 =	vsub.f32 v0, v3  }
0x34: {  	v3 =	vld [tilespmem:s17+$0x8110]  }
0x35: {  	v7 =	vld [tilespmem:s17+$0x120];
	v5 =	vadd.f32 v6, v5;
	v0 =	vmul.f32 v0, v0;
	v1 =	vsub.f32 v1, v4  }
0x36: {  	v4 =	vld [tilespmem:s17+$0x8120]  }
0x37: {  	v2 =	vsub.f32 v2, v8;
	v6 =	vld [tilespmem:s17+$0x130];
	v0 =	vadd.f32 v0, v5;
	v1 =	vmul.f32 v1, v1  }
0x38: {  	v5 =	vld [tilespmem:s17+$0x8130]  }
0x39: {  	v2 =	vmul.f32 v2, v2;
	v3 =	vsub.f32 v9, v3;
	v8 =	vld [tilespmem:s17+$0x140];
	v0 =	vadd.f32 v1, v0  }
0x3a: {  	v1 =	vld [tilespmem:s17+$0x8140]  }
0x3b: {  	v0 =	vadd.f32 v2, v0;
	v2 =	vmul.f32 v3, v3;
	v3 =	vsub.f32 v7, v4;
	v7 =	vld [tilespmem:s17+$0x150]  }
0x3c: {  	v9 =	vld [tilespmem:s17+$0x8150]  }
.Ltmp0:
0x3d: {  	v2 =	vadd.f32 v2, v0;
	v4 =	vmul.f32 v3, v3;
	v5 =	vsub.f32 v6, v5;
	v0 =	vld [tilespmem:s17+$0x160];
	(pc) =	sbr.rel @p0 .LBB2_2-.Ltmp0, $4  }
0x3e: {  	v3 =	vld [tilespmem:s17+$0x8160]  }
0x3f: {  	v6 =	vadd.f32 v4, v2;
	v5 =	vmul.f32 v5, v5;
	v8 =	vsub.f32 v8, v1;
	v1 =	vld [tilespmem:s17+$0x170]  }
0x40: {  	v4 =	vld [tilespmem:s17+$0x8170];
	s17 =	sshra.s32 s18, $0x2  }
0x41: {  	s18 =	sadd.s32 $0x200, s18;
	v2 =	vld [tilespmem:s17+$0x100];
	v5 =	vadd.f32 v5, v6;
	v6 =	vmul.f32 v8, v8;
	v7 =	vsub.f32 v7, v9  }
0x42: {  	v8 =	vld [tilespmem:s17+$0x8100]  }
0x43: {  	v9 =	vld [tilespmem:s17+$0x110];
	v5 =	vadd.f32 v6, v5;
	v39 =	vmul.f32 v7, v7;
	v0 =	vsub.f32 v0, v3  }
0x44: {  	v40 =	vld [tilespmem:s17+$0x8110]  }
0x45: {  	v41 =	vld [tilespmem:s17+$0x120];
	v5 =	vadd.f32 v39, v5;
	v0 =	vmul.f32 v0, v0;
	v1 =	vsub.f32 v1, v4  }
0x46: {  	v42 =	vld [tilespmem:s17+$0x8120]  }
0x47: {  	v43 =	vld [tilespmem:s17+$0x130];
	v2 =	vsub.f32 v2, v8;
	v0 =	vadd.f32 v0, v5;
	v1 =	vmul.f32 v1, v1  }
0x48: {  	v44 =	vld [tilespmem:s17+$0x8130]  }
0x49: {  	v45 =	vld [tilespmem:s17+$0x140];
	v3 =	vsub.f32 v9, v40;
	v2 =	vmul.f32 v2, v2;
	v0 =	vadd.f32 v1, v0  }
0x4a: {  	v46 =	vld [tilespmem:s17+$0x8140]  }
0x4b: {  	v49 =	vld [tilespmem:s17+$0x150];
	v48 =	vsub.f32 v41, v42;
	v47 =	vmul.f32 v3, v3;
	v0 =	vadd.f32 v2, v0  }
0x4c: {  	v50 =	vld [tilespmem:s17+$0x8150]  }
0x4d: {  	v53 =	vld [tilespmem:s17+$0x160];
	v52 =	vsub.f32 v43, v44;
	v51 =	vmul.f32 v48, v48;
	v0 =	vadd.f32 v47, v0  }
0x4e: {  	v54 =	vld [tilespmem:s17+$0x8160]  }
0x4f: {  	v56 =	vld [tilespmem:s17+$0x170];
	v55 =	vmul.f32 v52, v52;
	v1 =	vsub.f32 v45, v46;
	v0 =	vadd.f32 v51, v0  }
0x50: {  	v57 =	vld [tilespmem:s17+$0x8170]  }
0x51: {  	v58 =	vsub.f32 v49, v50;
	v1 =	vmul.f32 v1, v1;
	v0 =	vadd.f32 v55, v0;
	_ =	sdelay $0x1  }
0x52: {  	v60 =	vsub.f32 v53, v54;
	v59 =	vmul.f32 v58, v58;
	v0 =	vadd.f32 v1, v0;
	_ =	sdelay $0x1  }
0x53: {  	v62 =	vsub.f32 v56, v57;
	v61 =	vmul.f32 v60, v60;
	v0 =	vadd.f32 v59, v0;
	_ =	sdelay $0x1  }
0x54: {  	v63 =	vmul.f32 v62, v62;
	v0 =	vadd.f32 v61, v0;
	_ =	sdelay $0x1  }
0x55: {  	v0 =	vadd.f32 v63, v0;
	_ =	sdelay $0x1  }
0x56: {  	[tilespmem:$0x10100] =	vst v0  }
0x57: {  	[hbm4b:s6+s3] =	stream.linear.scatter [tilespmem:s11], [sflag:$0x2], $0x8000, $0x38;
	[tilespmem:$0x10180] =	vst v63  }
0x58: {  	s16 =	sadd.s32 $0x1, s16;
	_ =	swait.ge [sflag:s9], $0x8000  }
0x59: {  	p0 =	sne.s32 s16, s8;
	[sflag:s9] =	ssyncset.done $0x0  }
.Ltmp1:
0x5a: {  	[sflag:s9] =	ssyncadd.s32 $0xFFFF8000;
	(pc) =	sbr.rel @p0 .LBB2_1-.Ltmp1, $4  }
0x5b: {  	[hbm4b:s7+s3] =	stream.linear.scatter [tilespmem:s15], [sflag:$0x2], $0x80, $0x38;
	[tilespmem:$0x10180] =	vst v63  }
0x5c: {  	_ =	swait.ge [sflag:s9], $0x80  }
0x5d: {  	[sflag:s9] =	ssyncset.done $0x0  }
0x5e: {  	[sflag:s9] =	ssyncadd.s32 $0xFFFFFF80  }
0x5f: {  	_ =	sfence.sel $0x180000  }
0x60: {  	[bflag:$0x0] =	sbarrier.arrive $0xFFFF  }
0x61: {  	p0 =	sne.s32 s2, $0x0;
	_ =	strace $0x90000047  }
0x62: {  	s0 =	sadd.s32 @!p0 $0x100000, s0;
	[bflag:$0x2] =	sbarrier.arrive $0xFFFF  }
0x63: {  	[sflag:s0] =	ssyncadd.tile.s32 @!p0 $0x1;
	_ =	shalt  }
.Lfunc_end2:
_tile_overlayer_lowered:
.L_overlay_start_2:
0x64: {  	(tag) =	ssettag $0x2  }
0x65: {  	s0 =	rddreg [dreg:$0x0];
	s2 =	stileid.u32  }
0x66: {  	s1 =	rddreg [dreg:$0x1];
	p0 =	sne.s32 s2, $0x0  }
0x67: {  	s3 =	rddreg [dreg:$0x2];
	[bflag:$0x3] =	sbarrier.arrive $0xFFFF;
	s2 =	simm.s32 @!p0 $0x1C02  }
0x68: {  	[timem:s3], [sflag:s2] =	dma.local @!p0 [hbm:s0], s1  }
0x69: {  	s0 =	simm.s32 @!p0 $0x2  }
0x6a: {  	_ =	swait.ge @!p0 [sflag:s0], s1  }
0x6b: {  	s1 =	ssub.s32 @!p0 $0x0, s1;
	[sflag:s0] =	ssyncset.done @!p0 $0x0  }
0x6c: {  	[sflag:s0] =	ssyncadd.s32 @!p0 s1  }
0x6d: {  	[bflag:$0x3] =	sbarrier.arrive $0xFFFF  }
0x6e: {  	_ =	shalt  }

</sc_bundles>
